<compile_context>
chip_gen: v7x
topology: tpu7x:2x2x1
jax: 0.10.2.dev20260603
libtpu: 0.0.44.dev20260713+nightly
codegen_flags: <defaults>
</compile_context>

<pallas_src>
import functools

import jax
import jax.numpy as jnp
from jax import lax
from jax.experimental import pallas as pl
from jax.experimental.pallas import tpu as pltpu
from jax.experimental.pallas import tpu_sc as plsc

BATCH = 16384
CUST_VOCAB = 264055
CUST_DIM = 18
PROD_DIM = 7
PROD_VOCAB = 129
PROD_OH = 136
TBL_W = 128
DENSE_DIM = 13
H0, H1 = 1024, 512

NC, NS = 2, 16
NW = NC * NS
BPW = BATCH // NW
IDX_CHUNK = 128



_TP_COLS = 4096
_TP_GRID = (CUST_VOCAB + _TP_COLS - 1) // _TP_COLS


def _tpad_body(wt_ref, out_ref):
    eye = jnp.eye(CUST_DIM, CUST_DIM, dtype=jnp.float32)
    out_ref[:, :CUST_DIM] = lax.dot_general(
        wt_ref[...], eye, (((0,), (0,)), ((), ())),
        preferred_element_type=jnp.float32)


def _tc_transpose_pad(wt):
    return pl.pallas_call(
        _tpad_body,
        grid=(_TP_GRID,),
        in_specs=[pl.BlockSpec((CUST_DIM, _TP_COLS), lambda i: (0, i))],
        out_specs=pl.BlockSpec((_TP_COLS, TBL_W), lambda i: (i, 0)),
        out_shape=jax.ShapeDtypeStruct((CUST_VOCAB, TBL_W), jnp.float32),
        compiler_params=pltpu.CompilerParams(
            dimension_semantics=("arbitrary",),
        ),
    )(wt)



@functools.lru_cache(maxsize=4)
def _make_sc_gather(batch):
    mesh = plsc.VectorSubcoreMesh(core_axis_name="c", subcore_axis_name="s")
    bpw = batch // NW

    @functools.partial(
        pl.kernel,
        mesh=mesh,
        out_type=jax.ShapeDtypeStruct((batch, TBL_W), jnp.float32),
        scratch_types=[
            pltpu.VMEM((bpw,), jnp.int32),
            pltpu.VMEM((bpw, TBL_W), jnp.float32),
            pltpu.SemaphoreType.DMA,
        ],
        compiler_params=pltpu.CompilerParams(use_tc_tiling_on_sc=False),
    )
    def _sc_gather(cid_hbm, wc_hbm, cust_out, cidx_v, crow_v, sem):
        wid = lax.axis_index("s") * NC + lax.axis_index("c")
        base = wid * bpw
        pltpu.sync_copy(cid_hbm.at[pl.ds(base, bpw)], cidx_v)
        nchunks = bpw // IDX_CHUNK
        for j in range(nchunks):
            sl = pl.ds(j * IDX_CHUNK, IDX_CHUNK)
            pltpu.async_copy(wc_hbm.at[cidx_v.at[sl]], crow_v.at[sl], sem)
        for j in range(nchunks):
            sl = pl.ds(j * IDX_CHUNK, IDX_CHUNK)
            pltpu.make_async_copy(wc_hbm.at[cidx_v.at[sl]], crow_v.at[sl],
                                  sem).wait()
        pltpu.sync_copy(crow_v, cust_out.at[pl.ds(base, bpw)])

    return _sc_gather



_ROWS = 2048
_NB = BATCH // _ROWS


def _mlp_body(cust_ref, pidx_ref, denset_ref, w1a_ref, p2_ref, w1c_ref,
              b1_ref, w2_ref, b2_ref, w3_ref, b3_ref, out_ref):
    lane = lax.broadcasted_iota(jnp.int32, (_ROWS, TBL_W), 1)
    x = jnp.where(lane < CUST_DIM, cust_ref[...], 0.0)
    h = jnp.dot(x, w1a_ref[...], preferred_element_type=jnp.float32)
    pidx = pidx_ref[0, 0, :]
    oh = (lax.broadcasted_iota(jnp.int32, (_ROWS, PROD_OH), 1)
          == pidx[:, None]).astype(jnp.float32)
    h = h + jnp.dot(oh, p2_ref[...], preferred_element_type=jnp.float32)
    h = h + lax.dot_general(denset_ref[...], w1c_ref[...],
                            (((0,), (0,)), ((), ())),
                            preferred_element_type=jnp.float32)
    h = jnp.maximum(h + b1_ref[...], 0.0)
    h = jnp.dot(h.astype(jnp.bfloat16), w2_ref[...],
                preferred_element_type=jnp.float32) + b2_ref[...]
    h = jnp.maximum(h, 0.0)
    o = jnp.dot(h, w3_ref[...], preferred_element_type=jnp.float32) + b3_ref[...]
    out_ref[...] = 1.0 / (1.0 + jnp.exp(-o))


def _tc_mlp(cust_emb, pidx3, denset, w1a, p2, w1c, b1, w2, b2, w3, b3,
            blk_off, nblk):
    full = lambda shape: pl.BlockSpec(shape, lambda i: (0, 0))
    rows = nblk * _ROWS
    return pl.pallas_call(
        _mlp_body,
        grid=(nblk,),
        in_specs=[
            pl.BlockSpec((_ROWS, TBL_W), lambda i: (i, 0)),
            pl.BlockSpec((1, 1, _ROWS), lambda i: (i + blk_off, 0, 0)),
            pl.BlockSpec((DENSE_DIM, _ROWS), lambda i: (0, i + blk_off)),
            full((TBL_W, H0)),
            full((PROD_OH, H0)),
            full((DENSE_DIM, H0)),
            full((1, H0)),
            full((H0, H1)),
            full((1, H1)),
            full((H1, 1)),
            full((1, 1)),
        ],
        out_specs=pl.BlockSpec((_ROWS, 1), lambda i: (i, 0)),
        out_shape=jax.ShapeDtypeStruct((rows, 1), jnp.float32),
        compiler_params=pltpu.CompilerParams(
            dimension_semantics=("arbitrary",),
        ),
    )(cust_emb, pidx3, denset, w1a, p2, w1c, b1, w2, b2, w3, b3)


_NSPLIT = 1
_BATCH_H = BATCH // _NSPLIT
_NB_H = _BATCH_H // _ROWS


def kernel(core_cust_id_input, prod_code_input, dense_input, W_cust, W_prod,
           W1, b1, W2, b2, W3, b3):
    wc_pad = _tc_transpose_pad(W_cust.T)
    w1a = jnp.pad(W1[:CUST_DIM], ((0, TBL_W - CUST_DIM), (0, 0)))
    p2 = jnp.pad(W_prod @ W1[CUST_DIM:CUST_DIM + PROD_DIM],
                 ((0, PROD_OH - PROD_VOCAB), (0, 0)))
    w1c = W1[CUST_DIM + PROD_DIM:]
    pidx3 = prod_code_input.reshape(_NB, 1, _ROWS)
    denset = dense_input.T
    w2b = W2.astype(jnp.bfloat16)
    gather = _make_sc_gather(_BATCH_H)
    outs = []
    for s in range(_NSPLIT):
        cid = lax.slice_in_dim(core_cust_id_input, s * _BATCH_H,
                               (s + 1) * _BATCH_H)
        ce = gather(cid, wc_pad)
        outs.append(_tc_mlp(ce, pidx3, denset,
                            w1a, p2, w1c, b1.reshape(1, H0),
                            w2b, b2.reshape(1, H1), W3, b3.reshape(1, 1),
                            s * _NB_H, _NB_H))
    return jnp.concatenate(outs, axis=0)

# --- scband reference (transcript-rebuilt; emitter-appended) ---
"""Pipeline reference for scband-cls-module-33045478376028 (READ-ONLY COPY).

The authoritative reference and input builder live on the scoring server;
editing this copy changes nothing except your own understanding.
"""

import jax, jax.numpy as jnp
import numpy as np
import math

CUST_VOCAB = 264055
PROD_VOCAB = 129
CUST_DIM = int(math.log2(CUST_VOCAB))  # 18
PROD_DIM = int(math.log2(PROD_VOCAB))  # 7
DENSE_DIM = 13
BATCH = 16384
H0, H1 = 1024, 512
DNN_IN = CUST_DIM + PROD_DIM + DENSE_DIM  # 38


def setup_inputs(seed: int = 0) -> dict:
    key = jax.random.key(seed)
    ks = jax.random.split(key, 12)
    core_cust_id_input = jax.random.randint(ks[0], (BATCH,), 0, CUST_VOCAB, dtype=jnp.int32)
    prod_code_input = jax.random.randint(ks[1], (BATCH,), 0, PROD_VOCAB, dtype=jnp.int32)
    dense_input = jax.random.normal(ks[2], (BATCH, DENSE_DIM), dtype=jnp.float32)
    W_cust = jax.random.normal(ks[3], (CUST_VOCAB, CUST_DIM), dtype=jnp.float32)
    W_prod = jax.random.normal(ks[4], (PROD_VOCAB, PROD_DIM), dtype=jnp.float32)
    W1 = jax.random.normal(ks[5], (DNN_IN, H0), dtype=jnp.float32) * (1.0 / np.sqrt(DNN_IN))
    b1 = jnp.zeros((H0,), dtype=jnp.float32)
    W2 = jax.random.normal(ks[6], (H0, H1), dtype=jnp.float32) * (1.0 / np.sqrt(H0))
    b2 = jnp.zeros((H1,), dtype=jnp.float32)
    W3 = jax.random.normal(ks[7], (H1, 1), dtype=jnp.float32) * (1.0 / np.sqrt(H1))
    b3 = jnp.zeros((1,), dtype=jnp.float32)
    return {
        'core_cust_id_input': core_cust_id_input,
        'prod_code_input': prod_code_input,
        'dense_input': dense_input,
        'W_cust': W_cust,
        'W_prod': W_prod,
        'W1': W1, 'b1': b1,
        'W2': W2, 'b2': b2,
        'W3': W3, 'b3': b3,
    }


def reference(core_cust_id_input, prod_code_input, dense_input, W_cust, W_prod, W1, b1, W2, b2, W3, b3):
    cust_emb = jnp.take(W_cust, core_cust_id_input, axis=0)
    prod_emb = jnp.take(W_prod, prod_code_input, axis=0)
    dnn_input = jnp.concatenate([cust_emb, prod_emb, dense_input], axis=1)
    h = jax.nn.relu(dnn_input @ W1 + b1)
    h = jax.nn.relu(h @ W2 + b2)
    out = jax.nn.sigmoid(h @ W3 + b3)
    return out

if __name__ == "__main__":
    import jax
    _d = setup_inputs()
    print(jax.jit(kernel)(*tuple(_d.values())))

</pallas_src>

<mosaic_0001>
#map = affine_map<(d0, d1) -> (0)>
#map1 = affine_map<(d0, d1) -> (0, 0)>
module attributes {stable_mosaic.version = 14 : i64} {
  func.func @_sc_gather(%arg0: i32, %arg1: i32, %arg2: memref<16384xi32, #tpu.memory_space<hbm>>, %arg3: memref<264055x128xf32, #tpu.memory_space<hbm>>, %arg4: memref<16384x128xf32, #tpu.memory_space<hbm>>, %arg5: memref<512xi32, #tpu.memory_space<vmem>>, %arg6: memref<512x128xf32, #tpu.memory_space<vmem>>, %arg7: memref<!tpu.dma_semaphore, #tpu.memory_space<semaphore_mem>>) attributes {dimension_semantics = [#tpu.dimension_semantics<core_parallel>, #tpu.dimension_semantics<subcore_parallel>], iteration_bounds = array<i64: 2, 16>, scalar_prefetch = 0 : i64, scratch_operands = 3 : i64, tpu.core_type = #tpu.core_type<sc_vector_subcore>, window_params = [{transform_indices = #map}, {transform_indices = #map1}, {transform_indices = #map1}]} {
    %mul3A = arith.constant 2 : i32
    %mul3A_0 = arith.muli %arg1, %mul3A : i32
    %add3A = arith.addi %mul3A_0, %arg0 : i32
    %mul3A_1 = arith.constant 512 : i32
    %mul3A_2 = arith.muli %add3A, %mul3A_1 : i32
    "tpu.region"() ({
      %run_scoped3A = tpu.sem_alloc : memref<!tpu.dma_semaphore, #tpu.memory_space<semaphore_mem>>
      %dma_start3A_65 = tpu.memref_slice %arg2[%mul3A_2] : memref<16384xi32, #tpu.memory_space<hbm>> -> memref<512xi32, #tpu.memory_space<hbm>>
      %dma_start3A_66 = tpu.memref_slice %arg2[%mul3A_2] : memref<16384xi32, #tpu.memory_space<hbm>> -> memref<512xi32, #tpu.memory_space<hbm>>
      tpu.enqueue_dma source(%dma_start3A_66 : memref<512xi32, #tpu.memory_space<hbm>>) target(%arg5 : memref<512xi32, #tpu.memory_space<vmem>>) target_semaphore(%run_scoped3A : memref<!tpu.dma_semaphore, #tpu.memory_space<semaphore_mem>>)
      %dma_wait3A_67 = tpu.memref_slice %arg2[%mul3A_2] : memref<16384xi32, #tpu.memory_space<hbm>> -> memref<512xi32, #tpu.memory_space<hbm>>
      %dma_wait3A_68 = tpu.memref_slice %arg2[%mul3A_2] : memref<16384xi32, #tpu.memory_space<hbm>> -> memref<512xi32, #tpu.memory_space<hbm>>
      tpu.wait_dma2 semaphore(%run_scoped3A : memref<!tpu.dma_semaphore, #tpu.memory_space<semaphore_mem>>) src(%dma_wait3A_68 : memref<512xi32, #tpu.memory_space<hbm>>) dst(%arg5 : memref<512xi32, #tpu.memory_space<vmem>>)
      tpu.yield
    }) : () -> ()
    %dma_start3A = arith.constant 0 : i32
    %dma_start3A_3 = arith.constant 0 : i32
    %dma_start3A_4 = tpu.memref_slice %arg6[%dma_start3A, %dma_start3A_3] : memref<512x128xf32, #tpu.memory_space<vmem>> -> memref<128x128xf32, #tpu.memory_space<vmem>>
    %dma_start3A_5 = arith.constant 0 : i32
    %dma_start3A_6 = tpu.memref_slice %arg5[%dma_start3A_5] : memref<512xi32, #tpu.memory_space<vmem>> -> memref<128xi32, #tpu.memory_space<vmem>>
    %dma_start3A_7 = arith.constant 0 : i32
    %dma_start3A_8 = arith.constant 0 : i32
    %dma_start3A_9 = tpu.memref_slice %arg3[%dma_start3A_7, %dma_start3A_8] : memref<264055x128xf32, #tpu.memory_space<hbm>> -> memref<264055x128xf32, #tpu.memory_space<hbm>>
    tpu.enqueue_indirect_dma source(%dma_start3A_9 : memref<264055x128xf32, #tpu.memory_space<hbm>>) target(%dma_start3A_4 : memref<128x128xf32, #tpu.memory_space<vmem>>) offsets(%dma_start3A_6 : memref<128xi32, #tpu.memory_space<vmem>>) semaphore(%arg7 : memref<!tpu.dma_semaphore, #tpu.memory_space<semaphore_mem>>)
    %dma_start3A_10 = arith.constant 128 : i32
    %dma_start3A_11 = arith.constant 0 : i32
    %dma_start3A_12 = tpu.memref_slice %arg6[%dma_start3A_10, %dma_start3A_11] : memref<512x128xf32, #tpu.memory_space<vmem>> -> memref<128x128xf32, #tpu.memory_space<vmem>>
    %dma_start3A_13 = arith.constant 128 : i32
    %dma_start3A_14 = tpu.memref_slice %arg5[%dma_start3A_13] : memref<512xi32, #tpu.memory_space<vmem>> -> memref<128xi32, #tpu.memory_space<vmem>>
    %dma_start3A_15 = arith.constant 0 : i32
    %dma_start3A_16 = arith.constant 0 : i32
    %dma_start3A_17 = tpu.memref_slice %arg3[%dma_start3A_15, %dma_start3A_16] : memref<264055x128xf32, #tpu.memory_space<hbm>> -> memref<264055x128xf32, #tpu.memory_space<hbm>>
    tpu.enqueue_indirect_dma source(%dma_start3A_17 : memref<264055x128xf32, #tpu.memory_space<hbm>>) target(%dma_start3A_12 : memref<128x128xf32, #tpu.memory_space<vmem>>) offsets(%dma_start3A_14 : memref<128xi32, #tpu.memory_space<vmem>>) semaphore(%arg7 : memref<!tpu.dma_semaphore, #tpu.memory_space<semaphore_mem>>)
    %dma_start3A_18 = arith.constant 256 : i32
    %dma_start3A_19 = arith.constant 0 : i32
    %dma_start3A_20 = tpu.memref_slice %arg6[%dma_start3A_18, %dma_start3A_19] : memref<512x128xf32, #tpu.memory_space<vmem>> -> memref<128x128xf32, #tpu.memory_space<vmem>>
    %dma_start3A_21 = arith.constant 256 : i32
    %dma_start3A_22 = tpu.memref_slice %arg5[%dma_start3A_21] : memref<512xi32, #tpu.memory_space<vmem>> -> memref<128xi32, #tpu.memory_space<vmem>>
    %dma_start3A_23 = arith.constant 0 : i32
    %dma_start3A_24 = arith.constant 0 : i32
    %dma_start3A_25 = tpu.memref_slice %arg3[%dma_start3A_23, %dma_start3A_24] : memref<264055x128xf32, #tpu.memory_space<hbm>> -> memref<264055x128xf32, #tpu.memory_space<hbm>>
    tpu.enqueue_indirect_dma source(%dma_start3A_25 : memref<264055x128xf32, #tpu.memory_space<hbm>>) target(%dma_start3A_20 : memref<128x128xf32, #tpu.memory_space<vmem>>) offsets(%dma_start3A_22 : memref<128xi32, #tpu.memory_space<vmem>>) semaphore(%arg7 : memref<!tpu.dma_semaphore, #tpu.memory_space<semaphore_mem>>)
    %dma_start3A_26 = arith.constant 384 : i32
    %dma_start3A_27 = arith.constant 0 : i32
    %dma_start3A_28 = tpu.memref_slice %arg6[%dma_start3A_26, %dma_start3A_27] : memref<512x128xf32, #tpu.memory_space<vmem>> -> memref<128x128xf32, #tpu.memory_space<vmem>>
    %dma_start3A_29 = arith.constant 384 : i32
    %dma_start3A_30 = tpu.memref_slice %arg5[%dma_start3A_29] : memref<512xi32, #tpu.memory_space<vmem>> -> memref<128xi32, #tpu.memory_space<vmem>>
    %dma_start3A_31 = arith.constant 0 : i32
    %dma_start3A_32 = arith.constant 0 : i32
    %dma_start3A_33 = tpu.memref_slice %arg3[%dma_start3A_31, %dma_start3A_32] : memref<264055x128xf32, #tpu.memory_space<hbm>> -> memref<264055x128xf32, #tpu.memory_space<hbm>>
    tpu.enqueue_indirect_dma source(%dma_start3A_33 : memref<264055x128xf32, #tpu.memory_space<hbm>>) target(%dma_start3A_28 : memref<128x128xf32, #tpu.memory_space<vmem>>) offsets(%dma_start3A_30 : memref<128xi32, #tpu.memory_space<vmem>>) semaphore(%arg7 : memref<!tpu.dma_semaphore, #tpu.memory_space<semaphore_mem>>)
    %dma_wait3A = arith.constant 0 : i32
    %dma_wait3A_34 = arith.constant 0 : i32
    %dma_wait3A_35 = tpu.memref_slice %arg6[%dma_wait3A, %dma_wait3A_34] : memref<512x128xf32, #tpu.memory_space<vmem>> -> memref<128x128xf32, #tpu.memory_space<vmem>>
    %dma_wait3A_36 = arith.constant 0 : i32
    %dma_wait3A_37 = tpu.memref_slice %arg5[%dma_wait3A_36] : memref<512xi32, #tpu.memory_space<vmem>> -> memref<128xi32, #tpu.memory_space<vmem>>
    %dma_wait3A_38 = arith.constant 0 : i32
    %dma_wait3A_39 = arith.constant 0 : i32
    %dma_wait3A_40 = tpu.memref_slice %arg3[%dma_wait3A_38, %dma_wait3A_39] : memref<264055x128xf32, #tpu.memory_space<hbm>> -> memref<264055x128xf32, #tpu.memory_space<hbm>>
    tpu.wait_indirect_dma semaphore(%arg7 : memref<!tpu.dma_semaphore, #tpu.memory_space<semaphore_mem>>) src(%dma_wait3A_40 : memref<264055x128xf32, #tpu.memory_space<hbm>>) dst(%dma_wait3A_35 : memref<128x128xf32, #tpu.memory_space<vmem>>)
    %dma_wait3A_41 = arith.constant 128 : i32
    %dma_wait3A_42 = arith.constant 0 : i32
    %dma_wait3A_43 = tpu.memref_slice %arg6[%dma_wait3A_41, %dma_wait3A_42] : memref<512x128xf32, #tpu.memory_space<vmem>> -> memref<128x128xf32, #tpu.memory_space<vmem>>
    %dma_wait3A_44 = arith.constant 128 : i32
    %dma_wait3A_45 = tpu.memref_slice %arg5[%dma_wait3A_44] : memref<512xi32, #tpu.memory_space<vmem>> -> memref<128xi32, #tpu.memory_space<vmem>>
    %dma_wait3A_46 = arith.constant 0 : i32
    %dma_wait3A_47 = arith.constant 0 : i32
    %dma_wait3A_48 = tpu.memref_slice %arg3[%dma_wait3A_46, %dma_wait3A_47] : memref<264055x128xf32, #tpu.memory_space<hbm>> -> memref<264055x128xf32, #tpu.memory_space<hbm>>
    tpu.wait_indirect_dma semaphore(%arg7 : memref<!tpu.dma_semaphore, #tpu.memory_space<semaphore_mem>>) src(%dma_wait3A_48 : memref<264055x128xf32, #tpu.memory_space<hbm>>) dst(%dma_wait3A_43 : memref<128x128xf32, #tpu.memory_space<vmem>>)
    %dma_wait3A_49 = arith.constant 256 : i32
    %dma_wait3A_50 = arith.constant 0 : i32
    %dma_wait3A_51 = tpu.memref_slice %arg6[%dma_wait3A_49, %dma_wait3A_50] : memref<512x128xf32, #tpu.memory_space<vmem>> -> memref<128x128xf32, #tpu.memory_space<vmem>>
    %dma_wait3A_52 = arith.constant 256 : i32
    %dma_wait3A_53 = tpu.memref_slice %arg5[%dma_wait3A_52] : memref<512xi32, #tpu.memory_space<vmem>> -> memref<128xi32, #tpu.memory_space<vmem>>
    %dma_wait3A_54 = arith.constant 0 : i32
    %dma_wait3A_55 = arith.constant 0 : i32
    %dma_wait3A_56 = tpu.memref_slice %arg3[%dma_wait3A_54, %dma_wait3A_55] : memref<264055x128xf32, #tpu.memory_space<hbm>> -> memref<264055x128xf32, #tpu.memory_space<hbm>>
    tpu.wait_indirect_dma semaphore(%arg7 : memref<!tpu.dma_semaphore, #tpu.memory_space<semaphore_mem>>) src(%dma_wait3A_56 : memref<264055x128xf32, #tpu.memory_space<hbm>>) dst(%dma_wait3A_51 : memref<128x128xf32, #tpu.memory_space<vmem>>)
    %dma_wait3A_57 = arith.constant 384 : i32
    %dma_wait3A_58 = arith.constant 0 : i32
    %dma_wait3A_59 = tpu.memref_slice %arg6[%dma_wait3A_57, %dma_wait3A_58] : memref<512x128xf32, #tpu.memory_space<vmem>> -> memref<128x128xf32, #tpu.memory_space<vmem>>
    %dma_wait3A_60 = arith.constant 384 : i32
    %dma_wait3A_61 = tpu.memref_slice %arg5[%dma_wait3A_60] : memref<512xi32, #tpu.memory_space<vmem>> -> memref<128xi32, #tpu.memory_space<vmem>>
    %dma_wait3A_62 = arith.constant 0 : i32
    %dma_wait3A_63 = arith.constant 0 : i32
    %dma_wait3A_64 = tpu.memref_slice %arg3[%dma_wait3A_62, %dma_wait3A_63] : memref<264055x128xf32, #tpu.memory_space<hbm>> -> memref<264055x128xf32, #tpu.memory_space<hbm>>
    tpu.wait_indirect_dma semaphore(%arg7 : memref<!tpu.dma_semaphore, #tpu.memory_space<semaphore_mem>>) src(%dma_wait3A_64 : memref<264055x128xf32, #tpu.memory_space<hbm>>) dst(%dma_wait3A_59 : memref<128x128xf32, #tpu.memory_space<vmem>>)
    "tpu.region"() ({
      %run_scoped3A = tpu.sem_alloc : memref<!tpu.dma_semaphore, #tpu.memory_space<semaphore_mem>>
      %dma_start3A_65 = arith.constant 0 : i32
      %dma_start3A_66 = tpu.memref_slice %arg4[%mul3A_2, %dma_start3A_65] : memref<16384x128xf32, #tpu.memory_space<hbm>> -> memref<512x128xf32, #tpu.memory_space<hbm>>
      %dma_start3A_67 = arith.constant 0 : i32
      %dma_start3A_68 = tpu.memref_slice %arg4[%mul3A_2, %dma_start3A_67] : memref<16384x128xf32, #tpu.memory_space<hbm>> -> memref<512x128xf32, #tpu.memory_space<hbm>>
      tpu.enqueue_dma source(%arg6 : memref<512x128xf32, #tpu.memory_space<vmem>>) target(%dma_start3A_68 : memref<512x128xf32, #tpu.memory_space<hbm>>) target_semaphore(%run_scoped3A : memref<!tpu.dma_semaphore, #tpu.memory_space<semaphore_mem>>)
      %dma_wait3A_69 = arith.constant 0 : i32
      %dma_wait3A_70 = tpu.memref_slice %arg4[%mul3A_2, %dma_wait3A_69] : memref<16384x128xf32, #tpu.memory_space<hbm>> -> memref<512x128xf32, #tpu.memory_space<hbm>>
      %dma_wait3A_71 = arith.constant 0 : i32
      %dma_wait3A_72 = tpu.memref_slice %arg4[%mul3A_2, %dma_wait3A_71] : memref<16384x128xf32, #tpu.memory_space<hbm>> -> memref<512x128xf32, #tpu.memory_space<hbm>>
      tpu.wait_dma2 semaphore(%run_scoped3A : memref<!tpu.dma_semaphore, #tpu.memory_space<semaphore_mem>>) src(%arg6 : memref<512x128xf32, #tpu.memory_space<vmem>>) dst(%dma_wait3A_72 : memref<512x128xf32, #tpu.memory_space<hbm>>)
      tpu.yield
    }) : () -> ()
    return
  }
}

module attributes {stable_mosaic.version = 14 : i64} {
  func.func @_tpad_body(%arg0: i32, %arg1: memref<18x4096xf32, #tpu.memory_space<vmem>>, %arg2: memref<4096x128xf32, #tpu.memory_space<vmem>>) attributes {dimension_semantics = [#tpu.dimension_semantics<arbitrary>], iteration_bounds = array<i64: 65>, scalar_prefetch = 0 : i64, scratch_operands = 0 : i64, tpu.core_type = #tpu.core_type<tc>, window_params = [{transform_indices = @transform_0, window_bounds = array<i64: 18, 4096>}, {transform_indices = @transform_1, window_bounds = array<i64: 4096, 128>}]} {
    %iota3A = tpu.iota {dimensions = array<i32: 0>} : vector<18x18xi32>
    %iota3A_0 = tpu.iota {dimensions = array<i32: 1>} : vector<18x18xi32>
    %add3A = arith.constant 0 : i32
    %add3A_1 = vector.broadcast %add3A : i32 to vector<18x18xi32>
    %add3A_2 = arith.addi %iota3A, %add3A_1 : vector<18x18xi32>
    %eq3A = arith.cmpi eq, %add3A_2, %iota3A_0 : vector<18x18xi32>
    %convert_element_type3A = arith.extui %eq3A : vector<18x18xi1> to vector<18x18xi32>
    %convert_element_type3A_3 = arith.sitofp %convert_element_type3A : vector<18x18xi32> to vector<18x18xf32>
    %get3A = arith.constant 0 : index
    %get3A_4 = arith.constant 0 : index
    %get3A_5 = vector.load %arg1[%get3A, %get3A_4] : memref<18x4096xf32, #tpu.memory_space<vmem>>, vector<18x4096xf32>
    %dot_general3A = arith.constant dense<0.000000e+00> : vector<4096x18xf32>
    %dot_general3A_6 = tpu.matmul %get3A_5, %convert_element_type3A_3, %dot_general3A {dimension_numbers = #tpu.dot_dimension_numbers<[0], [0], [1], [1], [0, 1, 1, 1], [], []>, transpose_lhs_hint = false} : vector<18x4096xf32>, vector<18x18xf32>, vector<4096x18xf32> -> vector<4096x18xf32>
    %swap3A = arith.constant 0 : index
    %swap3A_7 = arith.constant 0 : index
    %swap3A_8 = vector.load %arg2[%swap3A, %swap3A_7] : memref<4096x128xf32, #tpu.memory_space<vmem>>, vector<4096x18xf32>
    tpu.vector_store %arg2[%swap3A, %swap3A_7], %dot_general3A_6 {strides = array<i32>} : memref<4096x128xf32, #tpu.memory_space<vmem>>, vector<4096x18xf32>,
    return
  }
  func.func @transform_0(%arg0: i32) -> (i32, i32) {
    %c0_i32 = arith.constant 0 : i32
    %c0_i32_0 = arith.constant 0 : i32
    return %c0_i32, %arg0 : i32, i32
  }
  func.func @transform_1(%arg0: i32) -> (i32, i32) {
    %c0_i32 = arith.constant 0 : i32
    %c0_i32_0 = arith.constant 0 : i32
    return %arg0, %c0_i32 : i32, i32
  }
}

module attributes {stable_mosaic.version = 14 : i64} {
  func.func @_mlp_body(%arg0: i32, %arg1: memref<2048x128xf32, #tpu.memory_space<vmem>>, %arg2: memref<1x1x2048xi32, #tpu.memory_space<vmem>>, %arg3: memref<13x2048xf32, #tpu.memory_space<vmem>>, %arg4: memref<128x1024xf32, #tpu.memory_space<vmem>>, %arg5: memref<136x1024xf32, #tpu.memory_space<vmem>>, %arg6: memref<13x1024xf32, #tpu.memory_space<vmem>>, %arg7: memref<1x1024xf32, #tpu.memory_space<vmem>>, %arg8: memref<1024x512xbf16, #tpu.memory_space<vmem>>, %arg9: memref<1x512xf32, #tpu.memory_space<vmem>>, %arg10: memref<512x1xf32, #tpu.memory_space<vmem>>, %arg11: memref<1x1xf32, #tpu.memory_space<vmem>>, %arg12: memref<2048x1xf32, #tpu.memory_space<vmem>>) attributes {dimension_semantics = [#tpu.dimension_semantics<arbitrary>], iteration_bounds = array<i64: 8>, scalar_prefetch = 0 : i64, scratch_operands = 0 : i64, tpu.core_type = #tpu.core_type<tc>, window_params = [{transform_indices = @transform_0, window_bounds = array<i64: 2048, 128>}, {transform_indices = @transform_1, window_bounds = array<i64: 1, 1, 2048>}, {transform_indices = @transform_2, window_bounds = array<i64: 13, 2048>}, {pipeline_mode = #tpu.pipeline_mode<synchronous>, transform_indices = @transform_3, window_bounds = array<i64: 128, 1024>}, {pipeline_mode = #tpu.pipeline_mode<synchronous>, transform_indices = @transform_4, window_bounds = array<i64: 136, 1024>}, {pipeline_mode = #tpu.pipeline_mode<synchronous>, transform_indices = @transform_5, window_bounds = array<i64: 13, 1024>}, {pipeline_mode = #tpu.pipeline_mode<synchronous>, transform_indices = @transform_6, window_bounds = array<i64: 1, 1024>}, {pipeline_mode = #tpu.pipeline_mode<synchronous>, transform_indices = @transform_7, window_bounds = array<i64: 1024, 512>}, {pipeline_mode = #tpu.pipeline_mode<synchronous>, transform_indices = @transform_8, window_bounds = array<i64: 1, 512>}, {pipeline_mode = #tpu.pipeline_mode<synchronous>, transform_indices = @transform_9, window_bounds = array<i64: 512, 1>}, {pipeline_mode = #tpu.pipeline_mode<synchronous>, transform_indices = @transform_10, window_bounds = array<i64: 1, 1>}, {transform_indices = @transform_11, window_bounds = array<i64: 2048, 1>}]} {
    %iota3A = tpu.iota {dimensions = array<i32: 1>} : vector<2048x128xi32>
    %lt3A = arith.constant 18 : i32
    %lt3A_0 = vector.broadcast %lt3A : i32 to vector<2048x128xi32>
    %lt3A_1 = arith.cmpi slt, %iota3A, %lt3A_0 : vector<2048x128xi32>
    %get3A = arith.constant 0 : index
    %get3A_2 = arith.constant 0 : index
    %get3A_3 = vector.load %arg1[%get3A, %get3A_2] : memref<2048x128xf32, #tpu.memory_space<vmem>>, vector<2048x128xf32>
    %jit3A = arith.constant 0.000000e+00 : f32
    %broadcast_in_dim3A = vector.broadcast %jit3A : f32 to vector<2048x128xf32>
    %select_n3A = arith.select %lt3A_1, %get3A_3, %broadcast_in_dim3A : vector<2048x128xi1>, vector<2048x128xf32>
    %get3A_4 = arith.constant 0 : index
    %get3A_5 = arith.constant 0 : index
    %get3A_6 = vector.load %arg4[%get3A_4, %get3A_5] : memref<128x1024xf32, #tpu.memory_space<vmem>>, vector<128x1024xf32>
    %dot_general3A = arith.constant dense<0.000000e+00> : vector<2048x1024xf32>
    %dot_general3A_7 = tpu.matmul %select_n3A, %get3A_6, %dot_general3A {dimension_numbers = #tpu.dot_dimension_numbers<[1], [0], [0], [1], [0, 0, 1, 1], [], []>, transpose_lhs_hint = false} : vector<2048x128xf32>, vector<128x1024xf32>, vector<2048x1024xf32> -> vector<2048x1024xf32>
    %get3A_8 = arith.constant 0 : index
    %get3A_9 = arith.constant 0 : index
    %get3A_10 = arith.constant 0 : index
    %get3A_11 = vector.load %arg2[%get3A_8, %get3A_9, %get3A_10] : memref<1x1x2048xi32, #tpu.memory_space<vmem>>, vector<1x1x2048xi32>
    %get3A_12 = vector.shape_cast %get3A_11 : vector<1x1x2048xi32> to vector<2048xi32>
    %iota3A_13 = tpu.iota {dimensions = array<i32: 1>} : vector<2048x136xi32>
    %broadcast_in_dim3A_14 = vector.shape_cast %get3A_12 : vector<2048xi32> to vector<2048x1xi32>
    %eq3A = vector.broadcast %broadcast_in_dim3A_14 : vector<2048x1xi32> to vector<2048x136xi32>
    %eq3A_15 = arith.cmpi eq, %iota3A_13, %eq3A : vector<2048x136xi32>
    %convert_element_type3A = arith.extui %eq3A_15 : vector<2048x136xi1> to vector<2048x136xi32>
    %convert_element_type3A_16 = arith.sitofp %convert_element_type3A : vector<2048x136xi32> to vector<2048x136xf32>
    %get3A_17 = arith.constant 0 : index
    %get3A_18 = arith.constant 0 : index
    %get3A_19 = vector.load %arg5[%get3A_17, %get3A_18] : memref<136x1024xf32, #tpu.memory_space<vmem>>, vector<136x1024xf32>
    %dot_general3A_20 = arith.constant dense<0.000000e+00> : vector<2048x1024xf32>
    %dot_general3A_21 = tpu.matmul %convert_element_type3A_16, %get3A_19, %dot_general3A_20 {dimension_numbers = #tpu.dot_dimension_numbers<[1], [0], [0], [1], [0, 0, 1, 1], [], []>, transpose_lhs_hint = false} : vector<2048x136xf32>, vector<136x1024xf32>, vector<2048x1024xf32> -> vector<2048x1024xf32>
    %add3A = arith.addf %dot_general3A_7, %dot_general3A_21 : vector<2048x1024xf32>
    %get3A_22 = arith.constant 0 : index
    %get3A_23 = arith.constant 0 : index
    %get3A_24 = vector.load %arg3[%get3A_22, %get3A_23] : memref<13x2048xf32, #tpu.memory_space<vmem>>, vector<13x2048xf32>
    %get3A_25 = arith.constant 0 : index
    %get3A_26 = arith.constant 0 : index
    %get3A_27 = vector.load %arg6[%get3A_25, %get3A_26] : memref<13x1024xf32, #tpu.memory_space<vmem>>, vector<13x1024xf32>
    %dot_general3A_28 = arith.constant dense<0.000000e+00> : vector<2048x1024xf32>
    %dot_general3A_29 = tpu.matmul %get3A_24, %get3A_27, %dot_general3A_28 {dimension_numbers = #tpu.dot_dimension_numbers<[0], [0], [1], [1], [0, 1, 1, 1], [], []>, transpose_lhs_hint = false} : vector<13x2048xf32>, vector<13x1024xf32>, vector<2048x1024xf32> -> vector<2048x1024xf32>
    %add3A_30 = arith.addf %add3A, %dot_general3A_29 : vector<2048x1024xf32>
    %get3A_31 = arith.constant 0 : index
    %get3A_32 = arith.constant 0 : index
    %get3A_33 = vector.load %arg7[%get3A_31, %get3A_32] : memref<1x1024xf32, #tpu.memory_space<vmem>>, vector<1x1024xf32>
    %add3A_34 = vector.broadcast %get3A_33 : vector<1x1024xf32> to vector<2048x1024xf32>
    %add3A_35 = arith.addf %add3A_30, %add3A_34 : vector<2048x1024xf32>
    %max3A = arith.constant 0.000000e+00 : f32
    %max3A_36 = vector.broadcast %max3A : f32 to vector<2048x1024xf32>
    %max3A_37 = arith.maximumf %add3A_35, %max3A_36 : vector<2048x1024xf32>
    %convert_element_type3A_38 = arith.truncf %max3A_37 : vector<2048x1024xf32> to vector<2048x1024xbf16>
    %get3A_39 = arith.constant 0 : index
    %get3A_40 = arith.constant 0 : index
    %get3A_41 = vector.load %arg8[%get3A_39, %get3A_40] : memref<1024x512xbf16, #tpu.memory_space<vmem>>, vector<1024x512xbf16>
    %dot_general3A_42 = arith.constant dense<0.000000e+00> : vector<2048x512xf32>
    %dot_general3A_43 = tpu.matmul %convert_element_type3A_38, %get3A_41, %dot_general3A_42 {dimension_numbers = #tpu.dot_dimension_numbers<[1], [0], [0], [1], [0, 0, 1, 1], [], []>, transpose_lhs_hint = false} : vector<2048x1024xbf16>, vector<1024x512xbf16>, vector<2048x512xf32> -> vector<2048x512xf32>
    %get3A_44 = arith.constant 0 : index
    %get3A_45 = arith.constant 0 : index
    %get3A_46 = vector.load %arg9[%get3A_44, %get3A_45] : memref<1x512xf32, #tpu.memory_space<vmem>>, vector<1x512xf32>
    %add3A_47 = vector.broadcast %get3A_46 : vector<1x512xf32> to vector<2048x512xf32>
    %add3A_48 = arith.addf %dot_general3A_43, %add3A_47 : vector<2048x512xf32>
    %max3A_49 = arith.constant 0.000000e+00 : f32
    %max3A_50 = vector.broadcast %max3A_49 : f32 to vector<2048x512xf32>
    %max3A_51 = arith.maximumf %add3A_48, %max3A_50 : vector<2048x512xf32>
    %get3A_52 = arith.constant 0 : index
    %get3A_53 = arith.constant 0 : index
    %get3A_54 = vector.load %arg10[%get3A_52, %get3A_53] : memref<512x1xf32, #tpu.memory_space<vmem>>, vector<512x1xf32>
    %dot_general3A_55 = arith.constant dense<0.000000e+00> : vector<2048x1xf32>
    %dot_general3A_56 = tpu.matmul %max3A_51, %get3A_54, %dot_general3A_55 {dimension_numbers = #tpu.dot_dimension_numbers<[1], [0], [0], [1], [0, 0, 1, 1], [], []>, transpose_lhs_hint = false} : vector<2048x512xf32>, vector<512x1xf32>, vector<2048x1xf32> -> vector<2048x1xf32>
    %get3A_57 = arith.constant 0 : index
    %get3A_58 = arith.constant 0 : index
    %get3A_59 = vector.load %arg11[%get3A_57, %get3A_58] : memref<1x1xf32, #tpu.memory_space<vmem>>, vector<1x1xf32>
    %add3A_60 = vector.broadcast %get3A_59 : vector<1x1xf32> to vector<2048x1xf32>
    %add3A_61 = arith.addf %dot_general3A_56, %add3A_60 : vector<2048x1xf32>
    %neg3A = arith.constant 0.000000e+00 : f32
    %neg3A_62 = vector.broadcast %neg3A : f32 to vector<2048x1xf32>
    %neg3A_63 = arith.subf %neg3A_62, %add3A_61 : vector<2048x1xf32>
    %exp3A = math.exp %neg3A_63 : vector<2048x1xf32>
    %add3A_64 = arith.constant 1.000000e+00 : f32
    %add3A_65 = vector.broadcast %add3A_64 : f32 to vector<2048x1xf32>
    %add3A_66 = arith.addf %add3A_65, %exp3A : vector<2048x1xf32>
    %div3A = arith.constant 1.000000e+00 : f32
    %div3A_67 = vector.broadcast %div3A : f32 to vector<2048x1xf32>
    %div3A_68 = arith.divf %div3A_67, %add3A_66 : vector<2048x1xf32>
    %swap3A = arith.constant 0 : index
    %swap3A_69 = arith.constant 0 : index
    %swap3A_70 = vector.load %arg12[%swap3A, %swap3A_69] : memref<2048x1xf32, #tpu.memory_space<vmem>>, vector<2048x1xf32>
    tpu.vector_store %arg12[%swap3A, %swap3A_69], %div3A_68 {strides = array<i32>} : memref<2048x1xf32, #tpu.memory_space<vmem>>, vector<2048x1xf32>,
    return
  }
  func.func @transform_0(%arg0: i32) -> (i32, i32) {
    %c0_i32 = arith.constant 0 : i32
    %c0_i32_0 = arith.constant 0 : i32
    return %arg0, %c0_i32 : i32, i32
  }
  func.func @transform_1(%arg0: i32) -> (i32, i32, i32) {
    %add3A = arith.constant 0 : i32
    %add3A_0 = arith.addi %arg0, %add3A : i32
    %c0_i32 = arith.constant 0 : i32
    %c0_i32_1 = arith.constant 0 : i32
    %c0_i32_2 = arith.constant 0 : i32
    return %add3A_0, %c0_i32, %c0_i32_1 : i32, i32, i32
  }
  func.func @transform_2(%arg0: i32) -> (i32, i32) {
    %add3A = arith.constant 0 : i32
    %add3A_0 = arith.addi %arg0, %add3A : i32
    %c0_i32 = arith.constant 0 : i32
    %c0_i32_1 = arith.constant 0 : i32
    return %c0_i32, %add3A_0 : i32, i32
  }
  func.func @transform_3(%arg0: i32) -> (i32, i32) {
    %c0_i32 = arith.constant 0 : i32
    %c0_i32_0 = arith.constant 0 : i32
    %c0_i32_1 = arith.constant 0 : i32
    return %c0_i32, %c0_i32_0 : i32, i32
  }
  func.func @transform_4(%arg0: i32) -> (i32, i32) {
    %c0_i32 = arith.constant 0 : i32
    %c0_i32_0 = arith.constant 0 : i32
    %c0_i32_1 = arith.constant 0 : i32
    return %c0_i32, %c0_i32_0 : i32, i32
  }
  func.func @transform_5(%arg0: i32) -> (i32, i32) {
    %c0_i32 = arith.constant 0 : i32
    %c0_i32_0 = arith.constant 0 : i32
    %c0_i32_1 = arith.constant 0 : i32
    return %c0_i32, %c0_i32_0 : i32, i32
  }
  func.func @transform_6(%arg0: i32) -> (i32, i32) {
    %c0_i32 = arith.constant 0 : i32
    %c0_i32_0 = arith.constant 0 : i32
    %c0_i32_1 = arith.constant 0 : i32
    return %c0_i32, %c0_i32_0 : i32, i32
  }
  func.func @transform_7(%arg0: i32) -> (i32, i32) {
    %c0_i32 = arith.constant 0 : i32
    %c0_i32_0 = arith.constant 0 : i32
    %c0_i32_1 = arith.constant 0 : i32
    return %c0_i32, %c0_i32_0 : i32, i32
  }
  func.func @transform_8(%arg0: i32) -> (i32, i32) {
    %c0_i32 = arith.constant 0 : i32
    %c0_i32_0 = arith.constant 0 : i32
    %c0_i32_1 = arith.constant 0 : i32
    return %c0_i32, %c0_i32_0 : i32, i32
  }
  func.func @transform_9(%arg0: i32) -> (i32, i32) {
    %c0_i32 = arith.constant 0 : i32
    %c0_i32_0 = arith.constant 0 : i32
    %c0_i32_1 = arith.constant 0 : i32
    return %c0_i32, %c0_i32_0 : i32, i32
  }
  func.func @transform_10(%arg0: i32) -> (i32, i32) {
    %c0_i32 = arith.constant 0 : i32
    %c0_i32_0 = arith.constant 0 : i32
    %c0_i32_1 = arith.constant 0 : i32
    return %c0_i32, %c0_i32_0 : i32, i32
  }
  func.func @transform_11(%arg0: i32) -> (i32, i32) {
    %c0_i32 = arith.constant 0 : i32
    %c0_i32_0 = arith.constant 0 : i32
    return %arg0, %c0_i32 : i32, i32
  }
}

</mosaic_0001>

<sc_bundles>
// kernel: kernel.5.cloned.1.call-start
scs
__scs_entry_jumppad:
0x0: {  	(pc) =	sbr.rel $0x88, $3  }
0x1: {  	(tag) =	ssettag $0x0;
	lr =	simm.s32 $0x1  }
0x2: {  	[smem:$0x3F96] =	sst lr;
	_ =	strace $0xD0000000  }
0x3: {  	_ = 	snop  }
0x4: {  	_ = 	snop  }
0x5: {  	_ = 	snop  }
0x6: {  	_ = 	snop  }
0x7: {  	_ = 	snop  }
__scs_overlays_trampoline_lowered:
0x8: {  	[smem:$0x3FA5] =	sst s0  }
0x9: {  	[smem:$0x3FA6] =	sst s1  }
0xa: {  	[smem:$0x3FA7] =	sst s2  }
0xb: {  	[smem:$0x3FA8] =	sst s3  }
0xc: {  	[smem:$0x3FA9] =	sst s4  }
0xd: {  	[smem:$0x3FAA] =	sst s5  }
0xe: {  	[smem:$0x3FAB] =	sst s6  }
0xf: {  	[smem:$0x3FAC] =	sst s7  }
0x10: {  	[smem:$0x3FAD] =	sst s8  }
0x11: {  	[smem:$0x3FAE] =	sst s9;
	s0 =	simm.s32 @!p0 $0x0  }
0x12: {  	s1 =	sld [smem:$0x3F94];
	s0 =	simm.s32 @p0 $0x1  }
0x13: {  	[smem:$0x3FAF] =	sst s0;
	s0 =	simm.s32 @!p1 $0x0  }
0x14: {  	s2 =	sld [smem:$0x3F93];
	s0 =	simm.s32 @p1 $0x1  }
0x15: {  	[smem:$0x3FB0] =	sst s0;
	s0 =	simm.s32 @!p2 $0x0  }
0x16: {  	s3 =	sld [smem:$0x3FDB];
	s0 =	simm.s32 @p2 $0x1  }
0x17: {  	s4 =	simm.s32 $0x1BF5;
	[smem:$0x3FB2] =	sst s0  }
0x18: {  	s0 =	sld [smem:$0x3F95];
	_ =	swait.ge [sflag:s4], $0x0  }
0x19: {  	s7 =	sld [smem:$0x3F96]  }
0x1a: {  	s8 =	sadd.s32 $0xFFFFE003, lr  }
0x1b: {  	s9 =	sadd.s32 $0xFFFFFEF7, lr;
	s5 =	simm.s32 $0xFFFFFFFF;
	p2 =	slt.u32 s8, $0xFFFFF086  }
0x1c: {  	p1 =	slt.u32 s9, $0xF7A;
	s5 =	simm.s32 @!p2 $0x0  }
0x1d: {  	s5 =	simm.s32 @p1 $0x1;
	p0 =	seq.s32 s7, s2  }
0x1e: {  	s7 =	smul.u32 @!p0 $0xF7A, s2;
	p2 =	seq.s32 @!p0 s5, $0x0  }
0x1f: {  	s9 =	smul.u32 $0xF7A, s1;
	s8 =	simm.s32 @!p0 $0x1BF5;
	p2 =	por !p2, p0  }
0x20: {  	[sflag:s8] =	ssyncset.s32 @!p0 $0xFFFFF086;
	s6 =	sadd.s32 @!p0 s3, s7;
	s7 =	simm.s32 @!p0 $0x108  }
0x21: {  	s3 =	sadd.s32 s3, s9;
	s6 =	sadd.s32 @!p0 $0x88, s6;
	s7 =	simm.s32 @p2 $0x1082  }
0x22: {  	[simem:s7], [sflag:s8] =	dma.local @!p0 [hbm:s6], $0xF7A  }
0x23: {  	s9 =	sor.u32 $0xD0000000, s2;
	s6 =	simm.s32 $0x108;
	_ =	swait.ge @!p0 [sflag:s8], $0x0  }
0x24: {  	s3 =	sadd.s32 $0x88, s3;
	s6 =	simm.s32 @!p1 $0x1082;
	[sflag:s4] =	ssyncset.s32 $0xFFFFF086  }
0x25: {  	[simem:s6], [sflag:s4] =	dma.local [hbm:s3], $0xF7A  }
0x26: {  	[smem:$0x3F96] =	sst s1;
	(tag) =	ssettag s2;
	_ =	strace s9  }
0x27: {  	s1 =	sld [smem:$0x3FA6]  }
0x28: {  	s2 =	sld [smem:$0x3FA7]  }
0x29: {  	s4 =	sld [smem:$0x3FA9]  }
0x2a: {  	p0 =	seq.s32 s5, $0x0;
	s5 =	sld [smem:$0x3FAA]  }
0x2b: {  	s6 =	sld [smem:$0x3FAB]  }
0x2c: {  	s7 =	sld [smem:$0x3FAC]  }
0x2d: {  	s3 =	simm.s32 $0x108;
	s8 =	sld [smem:$0x3FAD]  }
0x2e: {  	s3 =	simm.s32 @!p0 $0x1082;
	s9 =	sld [smem:$0x3FAE]  }
0x2f: {  	lr =	sadd.s32 s0, s3;
	s0 =	sld [smem:$0x3FA5]  }
0x30: {  	s3 =	sld [smem:$0x3FA8]  }
0x31: {  	[smem:$0x3FB1] =	sst s10  }
0x32: {  	s10 =	sld [smem:$0x3FAF];
	_ =	sdelay $0x3  }
0x33: {  	p0 =	seq.s32 s10, $0x1;
	s10 =	sld [smem:$0x3FB1];
	_ =	sdelay $0x3  }
0x34: {  	[smem:$0x3FB1] =	sst s10  }
0x35: {  	s10 =	sld [smem:$0x3FB0];
	_ =	sdelay $0x3  }
0x36: {  	p1 =	seq.s32 s10, $0x1;
	s10 =	sld [smem:$0x3FB1];
	_ =	sdelay $0x3  }
0x37: {  	[smem:$0x3FB1] =	sst s10  }
0x38: {  	s10 =	sld [smem:$0x3FB2]  }
0x39: {  	_ = 	snop;
	(pc) =	sbr.ind lr, $3  }
0x3a: {  	_ = 	snop  }
0x3b: {  	_ = 	snop  }
0x3c: {  	p2 =	seq.s32 s10, $0x1;
	s10 =	sld [smem:$0x3FB1]  }
0x3d: {  	_ =	shalt  }
0x3e: {  	_ =	shalt  }
0x3f: {  	_ =	shalt  }
0x40: {  	_ =	shalt  }
0x41: {  	_ =	shalt  }
0x42: {  	_ =	shalt  }
0x43: {  	_ =	shalt  }
0x44: {  	_ =	shalt  }
0x45: {  	_ =	shalt  }
0x46: {  	_ =	shalt  }
0x47: {  	_ =	shalt  }
0x48: {  	_ =	shalt  }
0x49: {  	_ =	shalt  }
0x4a: {  	_ =	shalt  }
0x4b: {  	_ =	shalt  }
0x4c: {  	_ =	shalt  }
0x4d: {  	_ =	shalt  }
0x4e: {  	_ =	shalt  }
0x4f: {  	_ =	shalt  }
0x50: {  	_ =	shalt  }
0x51: {  	_ =	shalt  }
0x52: {  	_ =	shalt  }
0x53: {  	_ =	shalt  }
0x54: {  	_ =	shalt  }
0x55: {  	_ =	shalt  }
0x56: {  	_ =	shalt  }
0x57: {  	_ =	shalt  }
0x58: {  	_ =	shalt  }
0x59: {  	_ =	shalt  }
0x5a: {  	_ =	shalt  }
0x5b: {  	_ =	shalt  }
0x5c: {  	_ =	shalt  }
0x5d: {  	_ =	shalt  }
0x5e: {  	_ =	shalt  }
0x5f: {  	_ =	shalt  }
0x60: {  	_ =	shalt  }
0x61: {  	_ =	shalt  }
0x62: {  	_ =	shalt  }
0x63: {  	_ =	shalt  }
0x64: {  	_ =	shalt  }
0x65: {  	_ =	shalt  }
0x66: {  	_ =	shalt  }
0x67: {  	_ =	shalt  }
0x68: {  	_ =	shalt  }
0x69: {  	_ =	shalt  }
0x6a: {  	_ =	shalt  }
0x6b: {  	_ =	shalt  }
0x6c: {  	_ =	shalt  }
0x6d: {  	_ =	shalt  }
0x6e: {  	_ =	shalt  }
0x6f: {  	_ =	shalt  }
0x70: {  	_ =	shalt  }
0x71: {  	_ =	shalt  }
0x72: {  	_ =	shalt  }
0x73: {  	_ =	shalt  }
0x74: {  	_ =	shalt  }
0x75: {  	_ =	shalt  }
0x76: {  	_ =	shalt  }
0x77: {  	_ =	shalt  }
0x78: {  	_ =	shalt  }
0x79: {  	_ =	shalt  }
0x7a: {  	_ =	shalt  }
0x7b: {  	_ =	shalt  }
0x7c: {  	_ =	shalt  }
0x7d: {  	_ =	shalt  }
0x7e: {  	_ =	shalt  }
0x7f: {  	_ =	shalt  }
0x80: {  	_ =	shalt  }
0x81: {  	_ =	shalt  }
0x82: {  	_ =	shalt  }
0x83: {  	_ =	shalt  }
0x84: {  	_ =	shalt  }
0x85: {  	_ =	shalt  }
0x86: {  	_ =	shalt  }
0x87: {  	_ =	shalt  }
.Lfunc_end0:
.L_simem_size_0:
called_computation_lowered:
.L_overlay_start_0:
0x88: {  	s2 =	sld [smem:$0x3FD9]  }
0x89: {  	s3 =	sld [smem:$0x3FFE];
	_ =	sdelay $0x1  }
0x8a: {  	s1 =	srdreg.scid  }
0x8b: {  	s0 =	sand.u32 $0x1, s1  }
0x8c: {  	s17 =	sshll.u32 s0, $0xA;
	s2 =	sadd.s32 s3, s2  }
0x8d: {  	s2 =	sadd.s32 s2, s17  }
0x8e: {  	[smem:$0x3FBD] =	sst s2  }
0x8f: {  	_ = 	snop  }
0x90: {  	s2 =	sld [smem:$0x3FC9];
	(tm) =	ssettm $0x1  }
0x91: {  	s18 =	sld [smem:$0x3FFB];
	_ =	sdelay $0x3  }
0x92: {  	_ =	strace s18  }
0x93: {  	s3 =	sld [smem:$0x3FFC];
	_ =	sdelay $0x3  }
0x94: {  	_ =	strace s3  }
0x95: {  	s3 =	sld [smem:$0x3FFD];
	_ =	sdelay $0x3  }
0x96: {  	_ =	strace s3  }
0x97: {  	_ =	strace $0x8FFFFFFF  }
0x98: {  	s19 =	sld [smem:$0x3FDB];
	_ =	sdelay $0x1  }
0x99: {  	s4 =	simm.s32 $_scs_section_size  }
0x9a: {  	s5 =	simm.s32 $_size__tile_overlayer_lowered;
	s6 =	simm.s32 $_tile_overlayer_lowered  }
0x9b: {  	s22 =	simm.s32 $0x1BFF;
	s21 =	sshll.u32 s6, $0x1;
	s3 =	sadd.s32 s4, s19  }
0x9c: {  	s7 =	simm.s32 $0x0;
	s20 =	sshll.u32 s5, $0x1;
	s5 =	sadd.s32 s21, s3  }
0x9d: {  	[timem:s7], [sflag:s22] =	dma.local [hbm:s5], s20  }
0x9e: {  	_ =	swait.ge [sflag:s22], s20  }
0x9f: {  	s4 =	ssub.s32 $0x0, s20;
	[sflag:s22] =	ssyncset.done $0x0  }
0xa0: {  	[sflag:s22] =	ssyncadd.s32 s4;
	_ =	sdelay $0x1  }
0xa1: {  	s23 =	simm.s32 $0x1B8B  }
0xa2: {  	_ =	swait.ge [sflag:s23], $0x1  }
0xa3: {  	[sflag:s23] =	ssyncset.done $0x0  }
0xa4: {  	s25 =	simm.s32 $0x1B8E;
	s24 =	sld [smem:$0x3FFE];
	[sflag:s23] =	ssyncadd.s32 $0xFFFFFFFF  }
0xa5: {  	s26 =	simm.s32 $execute0_lowered;
	[smem:$0x3FD2] =	sst s25  }
0xa6: {  	s5 =	sshll.u32 s26, $0x1;
	_ =	strace $0x80000046;
	[dreg:$0x1] =	wrdreg $0xFFFFFFFF  }
0xa7: {  	s28 =	simm.s32 $_size_execute0_lowered;
	s3 =	sadd.s32 s3, s5;
	[dreg:$0x0] =	wrdreg $0x0  }
0xa8: {  	s5 =	sshll.u32 s28, $0x1;
	[dreg:$0x2] =	wrdreg s3  }
0xa9: {  	[dreg:$0x3] =	wrdreg s5  }
0xaa: {  	[dreg:$0x4] =	wrdreg $0xC0  }
0xab: {  	_ =	task [dreg:s7], $0x5FFFF  }
0xac: {  	[dreg:$0x1] =	wrdreg $0xFFFFFFFF  }
0xad: {  	[dreg:$0x0] =	wrdreg $0x60  }
0xae: {  	[dreg:$0x2] =	wrdreg s2  }
0xaf: {  	[dreg:$0x3] =	wrdreg s24  }
0xb0: {  	[dreg:$0x4] =	wrdreg $0x9  }
0xb1: {  	_ =	task.clear_ibuf [dreg:s7], $0x5FFFF;
	_ =	strace $0x90000046  }
0xb2: {  	s29 =	simm.s32 $0x9;
	_ =	strace $0x80000048  }
0xb3: {  	_ =	swait.ge [sflag:s29], $0x1  }
0xb4: {  	[sflag:s29] =	ssyncadd.s32 $0xFFFFFFFF  }
0xb5: {  	_ =	strace $0x90000048  }
0xb6: {  	_ =	sfence  }
0xb7: {  	s30 =	sld [smem:$0x0];
	_ =	sdelay $0x2  }
0xb8: {  	s31 =	sshll.u32 s1, $0xD;
	s1 =	sshrl.u32 s1, $0x2  }
0xb9: {  	s3 =	sand.u32 $0x4000, s31;
	s1 =	sadd.s32 s1, s30  }
0xba: {  	s0 =	sor.u32 s3, s0;
	s1 =	sshll.u32 s1, $0x11  }
0xbb: {  	s0 =	sor.u32 s1, s0  }
0xbc: {  	s0 =	sadd.s32 $0x8F2B, s0  }
0xbd: {  	[sflag:s0] =	ssyncadd.remote.s32 $0x1  }
0xbe: {  	_ =	sfence.sel $0xFFFF  }
0xbf: {  	[dreg:$0x0] =	wrdreg $0xFFFFFFFF;
	(pc) =	sbr.abs _section_cstart, $3  }
0xc0: {  	[dreg:$0x1] =	wrdreg $0xFFFFFFFF  }
0xc1: {  	_ =	task.clear_ibuf [dreg:s7], $0x2FFFF;
	_ =	strace $0x9FFFFFFF  }
0xc2: {  	(tm) =	ssettm $0x7FFFFFFF  }
0xc3: {  	_ =	shalt  }
tec
execute0_lowered:
.L_overlay_start_1:
0x0: {  	(tag) =	ssettag $0x1  }
0x1: {  	s1 =	srdreg.scid  }
0x2: {  	s3 =	rddreg [dreg:$0x0];
	s0 =	stileid.u32;
	s14 =	sand.u32 $0x1, s1  }
0x3: {  	s15 =	rddreg [dreg:$0x1];
	s4 =	sshll.u32 s0, $0xA;
	s5 =	sshll.u32 s14, $0x9  }
0x4: {  	s2 =	simm.s32 $0x0;
	s1 =	rddreg [dreg:$0x2];
	s16 =	sor.u32 s5, s4  }
0x5: {  	[smem:$0x7FF] =	sst s2;
	s4 =	sshrl.u32 s16, $0x3  }
0x6: {  	_ =	strace $0x80000047;
	s4 =	sadd.s32 s3, s4;
	s3 =	simm.s32 $0x2  }
0x7: {  	[tilespmem:s2], [sflag:$0x2] =	stream.linear.gather [hbm4b:s4+s2], $0x200, $0x38;
	[tilespmem:$0x10200] =	vst v63  }
0x8: {  	_ =	swait.ge [sflag:s3], $0x200  }
0x9: {  	s6 =	simm.s32 $0x80;
	[sflag:s3] =	ssyncset.done $0x0  }
0xa: {  	s7 =	simm.s32 $0x200;
	s5 =	sadd.s32 $0x1A00, s15;
	[sflag:s3] =	ssyncadd.s32 $0xFFFFFE00  }
0xb: {  	[tilespmem:s7], [sflag:$0x1] =	stream.indirect.gather [hbm4b:s5+s6], $0x80, s2, s6, $0xb8;
	[tilespmem:$0x10200] =	vst v63  }
0xc: {  	s8 =	simm.s32 $0x4200  }
0xd: {  	[tilespmem:s8], [sflag:$0x1] =	stream.indirect.gather [hbm4b:s5+s6], $0x80, s6, s6, $0xb8;
	[tilespmem:$0x10200] =	vst v63  }
0xe: {  	s9 =	simm.s32 $0x100;
	s10 =	simm.s32 $0x8200  }
0xf: {  	[tilespmem:s10], [sflag:$0x1] =	stream.indirect.gather [hbm4b:s5+s6], $0x80, s9, s6, $0xb8;
	[tilespmem:$0x10200] =	vst v63  }
0x10: {  	s11 =	simm.s32 $0x180;
	s12 =	simm.s32 $0xC200;
	s13 =	simm.s32 $0x1  }
0x11: {  	[tilespmem:s12], [sflag:$0x1] =	stream.indirect.gather [hbm4b:s5+s6], $0x80, s11, s6, $0xb8;
	[tilespmem:$0x10200] =	vst v63  }
0x12: {  	_ =	swait.ge [sflag:s13], $0x4000  }
0x13: {  	[sflag:s13] =	ssyncset.done $0x0  }
0x14: {  	[sflag:s13] =	ssyncadd.s32 $0xFFFFC000  }
0x15: {  	_ =	swait.ge [sflag:s13], $0x4000  }
0x16: {  	[sflag:s13] =	ssyncset.done $0x0  }
0x17: {  	s14 =	ssub.s32 $0x2, s14;
	[sflag:s13] =	ssyncadd.s32 $0xFFFFC000  }
0x18: {  	s17 =	sshrl.u32 s14, $0x1;
	_ =	swait.ge [sflag:s13], $0x4000  }
0x19: {  	s30 =	ssub.s32 s14, s17;
	[sflag:s13] =	ssyncset.done $0x0  }
0x1a: {  	s31 =	smax.u32 s30, $0x1;
	[sflag:s13] =	ssyncadd.s32 $0xFFFFC000  }
0x1b: {  	s16 =	sshll.u32 s16, $0x4;
	p0 =	sne.s32 s31, $0x1;
	_ =	swait.ge [sflag:s13], $0x4000  }
.Ltmp0:
0x1c: {  	s15 =	sadd.s32 s16, s15;
	[sflag:s13] =	ssyncset.done $0x0;
	(pc) =	sbr.rel @!p0 .LBB2_2-.Ltmp0, $4  }
0x1d: {  	s14 =	sadd.s32 $0x409200, s15;
	[sflag:s13] =	ssyncadd.s32 $0xFFFFC000  }
0x1e: {  	[hbm4b:s14+s2] =	stream.linear.scatter [tilespmem:s7], [sflag:$0x2], $0x10000, $0x38;
	[tilespmem:$0x10200] =	vst v63  }
0x1f: {  	_ =	swait.ge [sflag:s3], $0x10000  }
0x20: {  	s15 =	sadd.s32 $0xFFFFFFFF, s31;
	[sflag:s3] =	ssyncset.done $0x0  }
.LBB2_1:
0x21: {  	p0 =	sne.s32 s15, $0x1;
	s15 =	sadd.s32 $0xFFFFFFFF, s15;
	[sflag:s3] =	ssyncadd.s32 $0xFFFF0000  }
0x22: {  	[tilespmem:s2], [sflag:$0x2] =	stream.linear.gather [hbm4b:s4+s2], $0x200, $0x38;
	[tilespmem:$0x10200] =	vst v63  }
0x23: {  	_ =	swait.ge [sflag:s3], $0x200  }
0x24: {  	[sflag:s3] =	ssyncset.done $0x0  }
0x25: {  	[sflag:s3] =	ssyncadd.s32 $0xFFFFFE00  }
0x26: {  	[tilespmem:s7], [sflag:$0x1] =	stream.indirect.gather [hbm4b:s5+s6], $0x80, s2, s6, $0xb8;
	[tilespmem:$0x10200] =	vst v63  }
0x27: {  	_ = 	snop  }
0x28: {  	[tilespmem:s8], [sflag:$0x1] =	stream.indirect.gather [hbm4b:s5+s6], $0x80, s6, s6, $0xb8;
	[tilespmem:$0x10200] =	vst v63  }
0x29: {  	_ = 	snop  }
0x2a: {  	[tilespmem:s10], [sflag:$0x1] =	stream.indirect.gather [hbm4b:s5+s6], $0x80, s9, s6, $0xb8;
	[tilespmem:$0x10200] =	vst v63  }
0x2b: {  	_ = 	snop  }
0x2c: {  	[tilespmem:s12], [sflag:$0x1] =	stream.indirect.gather [hbm4b:s5+s6], $0x80, s11, s6, $0xb8;
	[tilespmem:$0x10200] =	vst v63  }
0x2d: {  	_ =	swait.ge [sflag:s13], $0x4000  }
0x2e: {  	[sflag:s13] =	ssyncset.done $0x0  }
0x2f: {  	[sflag:s13] =	ssyncadd.s32 $0xFFFFC000  }
0x30: {  	_ =	swait.ge [sflag:s13], $0x4000  }
0x31: {  	[sflag:s13] =	ssyncset.done $0x0  }
0x32: {  	[sflag:s13] =	ssyncadd.s32 $0xFFFFC000  }
0x33: {  	_ =	swait.ge [sflag:s13], $0x4000  }
0x34: {  	[sflag:s13] =	ssyncset.done $0x0  }
0x35: {  	[sflag:s13] =	ssyncadd.s32 $0xFFFFC000  }
0x36: {  	_ =	swait.ge [sflag:s13], $0x4000  }
.Ltmp1:
0x37: {  	[sflag:s13] =	ssyncset.done $0x0;
	(pc) =	sbr.rel @p0 .LBB2_1-.Ltmp1, $4  }
0x38: {  	[sflag:s13] =	ssyncadd.s32 $0xFFFFC000  }
0x39: {  	[hbm4b:s14+s2] =	stream.linear.scatter [tilespmem:s7], [sflag:$0x2], $0x10000, $0x38;
	[tilespmem:$0x10200] =	vst v63  }
0x3a: {  	_ =	swait.ge [sflag:s3], $0x10000  }
0x3b: {  	[sflag:s3] =	ssyncset.done $0x0  }
.LBB2_2:
0x3c: {  	[sflag:s3] =	ssyncadd.s32 $0xFFFF0000  }
0x3d: {  	_ =	sfence.sel $0x180000  }
0x3e: {  	[bflag:$0x0] =	sbarrier.arrive $0xFFFF  }
0x3f: {  	p0 =	sne.s32 s0, $0x0;
	_ =	strace $0x90000047  }
0x40: {  	s0 =	sadd.s32 @!p0 $0x100000, s1;
	[bflag:$0x2] =	sbarrier.arrive $0xFFFF  }
0x41: {  	[sflag:s0] =	ssyncadd.tile.s32 @!p0 $0x1;
	_ =	shalt  }
.Lfunc_end2:
_tile_overlayer_lowered:
.L_overlay_start_2:
0x42: {  	(tag) =	ssettag $0x2  }
0x43: {  	s0 =	rddreg [dreg:$0x0];
	s2 =	stileid.u32  }
0x44: {  	s1 =	rddreg [dreg:$0x1];
	p0 =	sne.s32 s2, $0x0  }
0x45: {  	s3 =	rddreg [dreg:$0x2];
	[bflag:$0x3] =	sbarrier.arrive $0xFFFF;
	s2 =	simm.s32 @!p0 $0x1C02  }
0x46: {  	[timem:s3], [sflag:s2] =	dma.local @!p0 [hbm:s0], s1  }
0x47: {  	s0 =	simm.s32 @!p0 $0x2  }
0x48: {  	_ =	swait.ge @!p0 [sflag:s0], s1  }
0x49: {  	s1 =	ssub.s32 @!p0 $0x0, s1;
	[sflag:s0] =	ssyncset.done @!p0 $0x0  }
0x4a: {  	[sflag:s0] =	ssyncadd.s32 @!p0 s1  }
0x4b: {  	[bflag:$0x3] =	sbarrier.arrive $0xFFFF  }
0x4c: {  	_ =	shalt  }

</sc_bundles>
